<compile_context>
chip_gen: v7x
topology: tpu7x:2x2x1
jax: 0.10.2.dev20260603
libtpu: 0.0.44.dev20260713+nightly
codegen_flags: <defaults>
</compile_context>

<pallas_src>
import functools

import jax
import jax.numpy as jnp
from jax import lax
from jax.experimental import pallas as pl
from jax.experimental.pallas import tpu as pltpu
from jax.experimental.pallas import tpu_sc as plsc

VOCAB = 1000
DIM = 128
BATCH = 16384

NUM_CORES = 2
NUM_SUBCORES = 16
LANES = 16
NUM_WORKERS = NUM_CORES * NUM_SUBCORES
B_PER_W = BATCH // NUM_WORKERS
CHUNK = 128
N_CHUNKS = B_PER_W // CHUNK

ROWS = VOCAB + 1
ROWS_PAD = 1024
STRIPE = 64
N_STRIPES = 15
TAIL0 = N_STRIPES * STRIPE
TAIL = ROWS - TAIL0
TAIL_PAD = 48

_mesh = plsc.VectorSubcoreMesh(core_axis_name="c", subcore_axis_name="s")


@functools.partial(
    pl.kernel,
    mesh=_mesh,
    out_type=jax.ShapeDtypeStruct((BATCH, DIM), jnp.float32),
    scratch_types=[
        pltpu.VMEM_SHARED((ROWS_PAD, DIM), jnp.float32),
        pltpu.VMEM((B_PER_W,), jnp.int32),
        pltpu.VMEM((N_CHUNKS, CHUNK), jnp.int32),
        pltpu.VMEM((B_PER_W, DIM), jnp.float32),
        pltpu.VMEM((TAIL_PAD,), jnp.int32),
        pltpu.VMEM((TAIL_PAD, DIM), jnp.float32),
        pltpu.SemaphoreType.DMA,
        pltpu.SemaphoreType.DMA,
        pltpu.SemaphoreType.DMA,
        pltpu.SemaphoreType.DMA,
    ],
)
def _emb_gather(x_hbm, table_hbm, out_hbm, table_sh, x_v, idx_v, rows_v,
                tidx_v, trows_v, st, sx, ga, so):
    sid = lax.axis_index("s")
    wid = sid * NUM_CORES + lax.axis_index("c")
    base = wid * B_PER_W

    xcp = pltpu.make_async_copy(x_hbm.at[pl.ds(base, B_PER_W)], x_v, sx)
    xcp.start()

    @pl.when(sid < N_STRIPES)
    def _():
        row0 = sid * STRIPE
        pltpu.async_copy(table_hbm.at[pl.ds(row0, STRIPE)],
                         table_sh.at[pl.ds(row0, STRIPE)], st).wait()

    @pl.when(sid == N_STRIPES)
    def _():
        def _tidx(j, _):
            v = jax.lax.iota(jnp.int32, LANES) + (TAIL0 + j * LANES)
            tidx_v[pl.ds(j * LANES, LANES)] = jnp.minimum(v, ROWS - 1)
            return 0
        lax.fori_loop(0, TAIL_PAD // LANES, _tidx, 0)
        pltpu.async_copy(table_hbm.at[tidx_v], trows_v, st).wait()
        pltpu.async_copy(trows_v, table_sh.at[tidx_v], st).wait()

    xcp.wait()

    def _remap(i, _):
        v = x_v[pl.ds(i * LANES, LANES)]
        ok = (v >= 0) & (v < VOCAB)
        idx_v[i // (CHUNK // LANES), pl.ds((i % (CHUNK // LANES)) * LANES, LANES)] = (
            jnp.where(ok, v + 1, 0))
        return 0
    lax.fori_loop(0, B_PER_W // LANES, _remap, 0)

    plsc.subcore_barrier()

    def _chunk(j, _):
        pltpu.async_copy(
            table_sh.at[idx_v.at[j]],
            rows_v.at[pl.ds(j * CHUNK, CHUNK)],
            ga,
        ).wait()
        pltpu.make_async_copy(
            rows_v.at[pl.ds(j * CHUNK, CHUNK)],
            out_hbm.at[pl.ds(base + j * CHUNK, CHUNK)],
            so,
        ).start()
        return 0
    lax.fori_loop(0, N_CHUNKS, _chunk, 0)

    pltpu.make_async_copy(rows_v, out_hbm.at[pl.ds(base, B_PER_W)], so).wait()


def kernel(x, table):
    xf = x.reshape(BATCH).astype(jnp.int32)
    out = _emb_gather(xf, table)
    return out.reshape(BATCH, 1, DIM)

# --- scband reference (transcript-rebuilt; emitter-appended) ---
"""Pipeline reference for scband-emb-model-8478265442690 (READ-ONLY COPY).

The authoritative reference and input builder live on the scoring server;
editing this copy changes nothing except your own understanding.
"""

import jax, jax.numpy as jnp
import numpy as np

VOCAB = 1000
DIM = 128
BATCH = 16384

def setup_inputs(seed: int = 0) -> dict:
    key = jax.random.key(seed)
    k1, k2 = jax.random.split(key)
    x = jax.random.randint(k1, (BATCH, 1), 0, VOCAB)
    # Embedding table: len(ids) + 1 rows (row 0 is the OOV slot of IntegerLookup)
    table = jax.random.normal(k2, (VOCAB + 1, DIM), dtype=jnp.float32) * 0.05
    return {"x": x, "table": table}

def reference(x, table):
    # tf.keras.layers.IntegerLookup(vocabulary=[0..999]) with default num_oov_indices=1:
    #   an id v present in the vocabulary maps to index (position_in_vocab + 1);
    #   since ids == arange(VOCAB), that is simply v + 1; any OOV id maps to 0.
    in_vocab = (x >= 0) & (x < VOCAB)
    idx = jnp.where(in_vocab, x + 1, 0)
    # Embedding gather -> output shape [BATCH, 1, DIM]
    return jnp.take(table, idx, axis=0)

if __name__ == "__main__":
    import jax
    _d = setup_inputs()
    print(jax.jit(kernel)(*tuple(_d.values())))

</pallas_src>

<mosaic_0001>
#map = affine_map<(d0, d1) -> (0)>
#map1 = affine_map<(d0, d1) -> (0, 0)>
module attributes {stable_mosaic.version = 14 : i64} {
  func.func @_emb_gather(%arg0: i32, %arg1: i32, %arg2: memref<16384xi32, #tpu.memory_space<hbm>>, %arg3: memref<1001x128xf32, #tpu.memory_space<hbm>>, %arg4: memref<16384x128xf32, #tpu.memory_space<hbm>>, %arg5: memref<1024x128xf32, #tpu.memory_space<vmem_shared>>, %arg6: memref<512xi32, #tpu.memory_space<vmem>>, %arg7: memref<4x128xi32, #tpu.memory_space<vmem>>, %arg8: memref<512x128xf32, #tpu.memory_space<vmem>>, %arg9: memref<48xi32, #tpu.memory_space<vmem>>, %arg10: memref<48x128xf32, #tpu.memory_space<vmem>>, %arg11: memref<!tpu.dma_semaphore, #tpu.memory_space<semaphore_mem>>, %arg12: memref<!tpu.dma_semaphore, #tpu.memory_space<semaphore_mem>>, %arg13: memref<!tpu.dma_semaphore, #tpu.memory_space<semaphore_mem>>, %arg14: memref<!tpu.dma_semaphore, #tpu.memory_space<semaphore_mem>>) attributes {dimension_semantics = [#tpu.dimension_semantics<core_parallel>, #tpu.dimension_semantics<subcore_parallel>], iteration_bounds = array<i64: 2, 16>, scalar_prefetch = 0 : i64, scratch_operands = 10 : i64, tpu.core_type = #tpu.core_type<sc_vector_subcore>, window_params = [{transform_indices = #map}, {transform_indices = #map1}, {transform_indices = #map1}]} {
    %mul3A = arith.constant 2 : i32
    %mul3A_0 = arith.muli %arg1, %mul3A : i32
    %add3A = arith.addi %mul3A_0, %arg0 : i32
    %mul3A_1 = arith.constant 512 : i32
    %mul3A_2 = arith.muli %add3A, %mul3A_1 : i32
    %dma_start3A = tpu.memref_slice %arg2[%mul3A_2] : memref<16384xi32, #tpu.memory_space<hbm>> -> memref<512xi32, #tpu.memory_space<hbm>>
    %dma_start3A_3 = tpu.memref_slice %arg2[%mul3A_2] : memref<16384xi32, #tpu.memory_space<hbm>> -> memref<512xi32, #tpu.memory_space<hbm>>
    tpu.enqueue_dma source(%dma_start3A_3 : memref<512xi32, #tpu.memory_space<hbm>>) target(%arg6 : memref<512xi32, #tpu.memory_space<vmem>>) target_semaphore(%arg12 : memref<!tpu.dma_semaphore, #tpu.memory_space<semaphore_mem>>)
    %lt3A = arith.constant 15 : i32
    %lt3A_4 = arith.cmpi slt, %arg1, %lt3A : i32
    %convert_element_type3A = arith.extui %lt3A_4 : i1 to i32
    %cond3A = arith.constant 0 : i32
    %cond3A_5 = arith.cmpi ne, %convert_element_type3A, %cond3A : i32
    scf.if %cond3A_5 {
      %mul3A_28 = arith.constant 64 : i32
      %mul3A_29 = arith.muli %arg1, %mul3A_28 : i32
      %dma_start3A_30 = arith.constant 0 : i32
      %dma_start3A_31 = tpu.memref_slice %arg5[%mul3A_29, %dma_start3A_30] : memref<1024x128xf32, #tpu.memory_space<vmem_shared>> -> memref<64x128xf32, #tpu.memory_space<vmem_shared>>
      %dma_start3A_32 = arith.constant 0 : i32
      %dma_start3A_33 = tpu.memref_slice %arg3[%mul3A_29, %dma_start3A_32] : memref<1001x128xf32, #tpu.memory_space<hbm>> -> memref<64x128xf32, #tpu.memory_space<hbm>>
      tpu.enqueue_dma source(%dma_start3A_33 : memref<64x128xf32, #tpu.memory_space<hbm>>) target(%dma_start3A_31 : memref<64x128xf32, #tpu.memory_space<vmem_shared>>) target_semaphore(%arg11 : memref<!tpu.dma_semaphore, #tpu.memory_space<semaphore_mem>>)
      %dma_wait3A_34 = arith.constant 0 : i32
      %dma_wait3A_35 = tpu.memref_slice %arg5[%mul3A_29, %dma_wait3A_34] : memref<1024x128xf32, #tpu.memory_space<vmem_shared>> -> memref<64x128xf32, #tpu.memory_space<vmem_shared>>
      %dma_wait3A_36 = arith.constant 0 : i32
      %dma_wait3A_37 = tpu.memref_slice %arg3[%mul3A_29, %dma_wait3A_36] : memref<1001x128xf32, #tpu.memory_space<hbm>> -> memref<64x128xf32, #tpu.memory_space<hbm>>
      tpu.wait_dma2 semaphore(%arg11 : memref<!tpu.dma_semaphore, #tpu.memory_space<semaphore_mem>>) src(%dma_wait3A_37 : memref<64x128xf32, #tpu.memory_space<hbm>>) dst(%dma_wait3A_35 : memref<64x128xf32, #tpu.memory_space<vmem_shared>>)
    } else {
    }
    %eq3A = arith.constant 15 : i32
    %eq3A_6 = arith.cmpi eq, %arg1, %eq3A : i32
    %convert_element_type3A_7 = arith.extui %eq3A_6 : i1 to i32
    %cond3A_8 = arith.constant 0 : i32
    %cond3A_9 = arith.cmpi ne, %convert_element_type3A_7, %cond3A_8 : i32
    scf.if %cond3A_9 {
      %scan3A_28 = arith.constant 0 : i32
      %scan3A_29 = arith.constant 0 : i32
      %scan3A_30 = arith.constant 3 : i32
      %scan3A_31 = arith.addi %scan3A_29, %scan3A_30 : i32
      %scan3A_32 = arith.constant 1 : i32
      %scan3A_33 = scf.for %scan3A_47 = %scan3A_29 to %scan3A_31 step %scan3A_32 iter_args(%scan3A_48 = %scan3A_28) -> (i32)  : i32 {
        %iota3A = tpu.iota {dimensions = array<i32: 0>} : vector<16xi32>
        %mul3A_49 = arith.constant 16 : i32
        %mul3A_50 = arith.muli %scan3A_47, %mul3A_49 : i32
        %add3A_51 = arith.constant 960 : i32
        %add3A_52 = arith.addi %add3A_51, %mul3A_50 : i32
        %add3A_53 = vector.broadcast %add3A_52 : i32 to vector<16xi32>
        %add3A_54 = arith.addi %iota3A, %add3A_53 : vector<16xi32>
        %min3A = arith.constant 1000 : i32
        %min3A_55 = vector.broadcast %min3A : i32 to vector<16xi32>
        %min3A_56 = arith.minsi %add3A_54, %min3A_55 : vector<16xi32>
        %mul3A_57 = arith.constant 16 : i32
        %mul3A_58 = arith.muli %scan3A_47, %mul3A_57 : i32
        %swap3A = arith.index_cast %mul3A_58 : i32 to index
        %swap3A_59 = tpu.vector_load %arg9[%swap3A] {strides = array<i32>} : memref<48xi32, #tpu.memory_space<vmem>>, vector<16xi32>,
        %swap3A_60 = vector.shape_cast %swap3A_59 : vector<16xi32> to vector<16xi32>
        %swap3A_61 = vector.shape_cast %min3A_56 : vector<16xi32> to vector<16xi32>
        tpu.vector_store %arg9[%swap3A], %swap3A_61 {strides = array<i32>} : memref<48xi32, #tpu.memory_space<vmem>>, vector<16xi32>,
        %scan3A_62 = arith.constant 0 : i32
        scf.yield %scan3A_62 : i32
      }
      %scan3A_34 = arith.constant 3 : i32
      %dma_start3A_35 = arith.constant 0 : i32
      %dma_start3A_36 = arith.constant 0 : i32
      %dma_start3A_37 = tpu.memref_slice %arg3[%dma_start3A_35, %dma_start3A_36] : memref<1001x128xf32, #tpu.memory_space<hbm>> -> memref<1001x128xf32, #tpu.memory_space<hbm>>
      tpu.enqueue_indirect_dma source(%dma_start3A_37 : memref<1001x128xf32, #tpu.memory_space<hbm>>) target(%arg10 : memref<48x128xf32, #tpu.memory_space<vmem>>) offsets(%arg9 : memref<48xi32, #tpu.memory_space<vmem>>) semaphore(%arg11 : memref<!tpu.dma_semaphore, #tpu.memory_space<semaphore_mem>>)
      %dma_wait3A_38 = arith.constant 0 : i32
      %dma_wait3A_39 = arith.constant 0 : i32
      %dma_wait3A_40 = tpu.memref_slice %arg3[%dma_wait3A_38, %dma_wait3A_39] : memref<1001x128xf32, #tpu.memory_space<hbm>> -> memref<1001x128xf32, #tpu.memory_space<hbm>>
      tpu.wait_indirect_dma semaphore(%arg11 : memref<!tpu.dma_semaphore, #tpu.memory_space<semaphore_mem>>) src(%dma_wait3A_40 : memref<1001x128xf32, #tpu.memory_space<hbm>>) dst(%arg10 : memref<48x128xf32, #tpu.memory_space<vmem>>)
      %dma_start3A_41 = arith.constant 0 : i32
      %dma_start3A_42 = arith.constant 0 : i32
      %dma_start3A_43 = tpu.memref_slice %arg5[%dma_start3A_41, %dma_start3A_42] : memref<1024x128xf32, #tpu.memory_space<vmem_shared>> -> memref<1024x128xf32, #tpu.memory_space<vmem_shared>>
      tpu.enqueue_indirect_dma source(%arg10 : memref<48x128xf32, #tpu.memory_space<vmem>>) target(%dma_start3A_43 : memref<1024x128xf32, #tpu.memory_space<vmem_shared>>) offsets(%arg9 : memref<48xi32, #tpu.memory_space<vmem>>) semaphore(%arg11 : memref<!tpu.dma_semaphore, #tpu.memory_space<semaphore_mem>>)
      %dma_wait3A_44 = arith.constant 0 : i32
      %dma_wait3A_45 = arith.constant 0 : i32
      %dma_wait3A_46 = tpu.memref_slice %arg5[%dma_wait3A_44, %dma_wait3A_45] : memref<1024x128xf32, #tpu.memory_space<vmem_shared>> -> memref<1024x128xf32, #tpu.memory_space<vmem_shared>>
      tpu.wait_indirect_dma semaphore(%arg11 : memref<!tpu.dma_semaphore, #tpu.memory_space<semaphore_mem>>) src(%arg10 : memref<48x128xf32, #tpu.memory_space<vmem>>) dst(%dma_wait3A_46 : memref<1024x128xf32, #tpu.memory_space<vmem_shared>>)
    } else {
    }
    %dma_wait3A = tpu.memref_slice %arg2[%mul3A_2] : memref<16384xi32, #tpu.memory_space<hbm>> -> memref<512xi32, #tpu.memory_space<hbm>>
    %dma_wait3A_10 = tpu.memref_slice %arg2[%mul3A_2] : memref<16384xi32, #tpu.memory_space<hbm>> -> memref<512xi32, #tpu.memory_space<hbm>>
    tpu.wait_dma2 semaphore(%arg12 : memref<!tpu.dma_semaphore, #tpu.memory_space<semaphore_mem>>) src(%dma_wait3A_10 : memref<512xi32, #tpu.memory_space<hbm>>) dst(%arg6 : memref<512xi32, #tpu.memory_space<vmem>>)
    %scan3A = arith.constant 0 : i32
    %scan3A_11 = arith.constant 0 : i32
    %scan3A_12 = arith.constant 32 : i32
    %scan3A_13 = arith.addi %scan3A_11, %scan3A_12 : i32
    %scan3A_14 = arith.constant 1 : i32
    %scan3A_15 = scf.for %scan3A_28 = %scan3A_11 to %scan3A_13 step %scan3A_14 iter_args(%scan3A_29 = %scan3A) -> (i32)  : i32 {
      %mul3A_30 = arith.constant 16 : i32
      %mul3A_31 = arith.muli %scan3A_28, %mul3A_30 : i32
      %get3A = arith.index_cast %mul3A_31 : i32 to index
      %get3A_32 = tpu.vector_load %arg6[%get3A] {strides = array<i32>} : memref<512xi32, #tpu.memory_space<vmem>>, vector<16xi32>,
      %get3A_33 = vector.shape_cast %get3A_32 : vector<16xi32> to vector<16xi32>
      %ge3A = arith.constant 0 : i32
      %ge3A_34 = vector.broadcast %ge3A : i32 to vector<16xi32>
      %ge3A_35 = arith.cmpi sge, %get3A_33, %ge3A_34 : vector<16xi32>
      %lt3A_36 = arith.constant 1000 : i32
      %lt3A_37 = vector.broadcast %lt3A_36 : i32 to vector<16xi32>
      %lt3A_38 = arith.cmpi slt, %get3A_33, %lt3A_37 : vector<16xi32>
      %and3A = arith.andi %ge3A_35, %lt3A_38 : vector<16xi1>
      %add3A_39 = arith.constant 1 : i32
      %add3A_40 = vector.broadcast %add3A_39 : i32 to vector<16xi32>
      %add3A_41 = arith.addi %get3A_33, %add3A_40 : vector<16xi32>
      %jit3A = arith.constant 0 : i32
      %broadcast_in_dim3A = vector.broadcast %jit3A : i32 to vector<16xi32>
      %select_n3A = arith.select %and3A, %add3A_41, %broadcast_in_dim3A : vector<16xi1>, vector<16xi32>
      %jit3A_42 = arith.constant 8 : i32
      %div3A = arith.divsi %scan3A_28, %jit3A_42 : i32
      %sign3A = arith.constant 0 : i32
      %sign3A_43 = arith.cmpi sgt, %scan3A_28, %sign3A : i32
      %sign3A_44 = arith.extui %sign3A_43 : i1 to i32
      %sign3A_45 = arith.constant 0 : i32
      %sign3A_46 = arith.cmpi slt, %scan3A_28, %sign3A_45 : i32
      %sign3A_47 = arith.extui %sign3A_46 : i1 to i32
      %sign3A_48 = arith.subi %sign3A_44, %sign3A_47 : i32
      %sign3A_49 = arith.constant 0 : i32
      %sign3A_50 = arith.cmpi sgt, %jit3A_42, %sign3A_49 : i32
      %sign3A_51 = arith.extui %sign3A_50 : i1 to i32
      %sign3A_52 = arith.constant 0 : i32
      %sign3A_53 = arith.cmpi slt, %jit3A_42, %sign3A_52 : i32
      %sign3A_54 = arith.extui %sign3A_53 : i1 to i32
      %sign3A_55 = arith.subi %sign3A_51, %sign3A_54 : i32
      %ne3A = arith.cmpi ne, %sign3A_48, %sign3A_55 : i32
      %rem3A = arith.remsi %scan3A_28, %jit3A_42 : i32
      %ne3A_56 = arith.constant 0 : i32
      %ne3A_57 = arith.cmpi ne, %rem3A, %ne3A_56 : i32
      %and3A_58 = arith.andi %ne3A, %ne3A_57 : i1
      %sub3A = arith.constant 1 : i32
      %sub3A_59 = arith.subi %div3A, %sub3A : i32
      %select_n3A_60 = arith.select %and3A_58, %sub3A_59, %div3A : i32
      %jit3A_61 = arith.constant 8 : i32
      %eq3A_62 = arith.constant 0 : i32
      %eq3A_63 = arith.cmpi eq, %jit3A_61, %eq3A_62 : i32
      %jit3A_64 = arith.constant 1 : i32
      %select_n3A_65 = arith.select %eq3A_63, %jit3A_64, %jit3A_61 : i32
      %rem3A_66 = arith.remsi %scan3A_28, %select_n3A_65 : i32
      %ne3A_67 = arith.constant 0 : i32
      %ne3A_68 = arith.cmpi ne, %rem3A_66, %ne3A_67 : i32
      %lt3A_69 = arith.constant 0 : i32
      %lt3A_70 = arith.cmpi slt, %rem3A_66, %lt3A_69 : i32
      %lt3A_71 = arith.constant 0 : i32
      %lt3A_72 = arith.cmpi slt, %select_n3A_65, %lt3A_71 : i32
      %ne3A_73 = arith.xori %lt3A_70, %lt3A_72 : i1
      %and3A_74 = arith.andi %ne3A_73, %ne3A_68 : i1
      %add3A_75 = arith.addi %rem3A_66, %select_n3A_65 : i32
      %select_n3A_76 = arith.select %and3A_74, %add3A_75, %rem3A_66 : i32
      %mul3A_77 = arith.constant 16 : i32
      %mul3A_78 = arith.muli %select_n3A_76, %mul3A_77 : i32
      %swap3A = arith.index_cast %select_n3A_60 : i32 to index
      %swap3A_79 = arith.index_cast %mul3A_78 : i32 to index
      %swap3A_80 = tpu.vector_load %arg7[%swap3A, %swap3A_79] {strides = array<i32>} : memref<4x128xi32, #tpu.memory_space<vmem>>, vector<1x16xi32>,
      %swap3A_81 = vector.shape_cast %swap3A_80 : vector<1x16xi32> to vector<16xi32>
      %swap3A_82 = vector.shape_cast %select_n3A : vector<16xi32> to vector<1x16xi32>
      tpu.vector_store %arg7[%swap3A, %swap3A_79], %swap3A_82 {strides = array<i32>} : memref<4x128xi32, #tpu.memory_space<vmem>>, vector<1x16xi32>,
      %scan3A_83 = arith.constant 0 : i32
      scf.yield %scan3A_83 : i32
    }
    %scan3A_16 = arith.constant 32 : i32
    %barrier3A = arith.constant 0 : index
    tpu.barrier barrier_id(%barrier3A)
    %scan3A_17 = arith.constant 0 : i32
    %scan3A_18 = arith.constant 0 : i32
    %scan3A_19 = arith.constant 4 : i32
    %scan3A_20 = arith.addi %scan3A_18, %scan3A_19 : i32
    %scan3A_21 = arith.constant 1 : i32
    %scan3A_22 = scf.for %scan3A_28 = %scan3A_18 to %scan3A_20 step %scan3A_21 iter_args(%scan3A_29 = %scan3A_17) -> (i32)  : i32 {
      %mul3A_30 = arith.constant 128 : i32
      %mul3A_31 = arith.muli %scan3A_28, %mul3A_30 : i32
      %dma_start3A_32 = arith.constant 0 : i32
      %dma_start3A_33 = tpu.memref_slice %arg8[%mul3A_31, %dma_start3A_32] : memref<512x128xf32, #tpu.memory_space<vmem>> -> memref<128x128xf32, #tpu.memory_space<vmem>>
      %dma_start3A_34 = arith.constant 0 : i32
      %dma_start3A_35 = tpu.memref_slice %arg7[%scan3A_28, %dma_start3A_34] : memref<4x128xi32, #tpu.memory_space<vmem>> -> memref<1x128xi32, #tpu.memory_space<vmem>>
      %dma_start3A_36 = tpu.memref_squeeze %dma_start3A_35 : memref<1x128xi32, #tpu.memory_space<vmem>> -> memref<128xi32, #tpu.memory_space<vmem>>
      %dma_start3A_37 = arith.constant 0 : i32
      %dma_start3A_38 = arith.constant 0 : i32
      %dma_start3A_39 = tpu.memref_slice %arg5[%dma_start3A_37, %dma_start3A_38] : memref<1024x128xf32, #tpu.memory_space<vmem_shared>> -> memref<1024x128xf32, #tpu.memory_space<vmem_shared>>
      tpu.enqueue_indirect_dma source(%dma_start3A_39 : memref<1024x128xf32, #tpu.memory_space<vmem_shared>>) target(%dma_start3A_33 : memref<128x128xf32, #tpu.memory_space<vmem>>) offsets(%dma_start3A_36 : memref<128xi32, #tpu.memory_space<vmem>>) semaphore(%arg13 : memref<!tpu.dma_semaphore, #tpu.memory_space<semaphore_mem>>)
      %dma_wait3A_40 = arith.constant 0 : i32
      %dma_wait3A_41 = tpu.memref_slice %arg8[%mul3A_31, %dma_wait3A_40] : memref<512x128xf32, #tpu.memory_space<vmem>> -> memref<128x128xf32, #tpu.memory_space<vmem>>
      %dma_wait3A_42 = arith.constant 0 : i32
      %dma_wait3A_43 = tpu.memref_slice %arg7[%scan3A_28, %dma_wait3A_42] : memref<4x128xi32, #tpu.memory_space<vmem>> -> memref<1x128xi32, #tpu.memory_space<vmem>>
      %dma_wait3A_44 = tpu.memref_squeeze %dma_wait3A_43 : memref<1x128xi32, #tpu.memory_space<vmem>> -> memref<128xi32, #tpu.memory_space<vmem>>
      %dma_wait3A_45 = arith.constant 0 : i32
      %dma_wait3A_46 = arith.constant 0 : i32
      %dma_wait3A_47 = tpu.memref_slice %arg5[%dma_wait3A_45, %dma_wait3A_46] : memref<1024x128xf32, #tpu.memory_space<vmem_shared>> -> memref<1024x128xf32, #tpu.memory_space<vmem_shared>>
      tpu.wait_indirect_dma semaphore(%arg13 : memref<!tpu.dma_semaphore, #tpu.memory_space<semaphore_mem>>) src(%dma_wait3A_47 : memref<1024x128xf32, #tpu.memory_space<vmem_shared>>) dst(%dma_wait3A_41 : memref<128x128xf32, #tpu.memory_space<vmem>>)
      %mul3A_48 = arith.constant 128 : i32
      %mul3A_49 = arith.muli %scan3A_28, %mul3A_48 : i32
      %mul3A_50 = arith.constant 128 : i32
      %mul3A_51 = arith.muli %scan3A_28, %mul3A_50 : i32
      %add3A_52 = arith.addi %mul3A_2, %mul3A_51 : i32
      %dma_start3A_53 = arith.constant 0 : i32
      %dma_start3A_54 = tpu.memref_slice %arg8[%mul3A_49, %dma_start3A_53] : memref<512x128xf32, #tpu.memory_space<vmem>> -> memref<128x128xf32, #tpu.memory_space<vmem>>
      %dma_start3A_55 = arith.constant 0 : i32
      %dma_start3A_56 = tpu.memref_slice %arg4[%add3A_52, %dma_start3A_55] : memref<16384x128xf32, #tpu.memory_space<hbm>> -> memref<128x128xf32, #tpu.memory_space<hbm>>
      %dma_start3A_57 = arith.constant 0 : i32
      %dma_start3A_58 = tpu.memref_slice %arg4[%add3A_52, %dma_start3A_57] : memref<16384x128xf32, #tpu.memory_space<hbm>> -> memref<128x128xf32, #tpu.memory_space<hbm>>
      %dma_start3A_59 = arith.constant 0 : i32
      %dma_start3A_60 = tpu.memref_slice %arg8[%mul3A_49, %dma_start3A_59] : memref<512x128xf32, #tpu.memory_space<vmem>> -> memref<128x128xf32, #tpu.memory_space<vmem>>
      tpu.enqueue_dma source(%dma_start3A_60 : memref<128x128xf32, #tpu.memory_space<vmem>>) target(%dma_start3A_58 : memref<128x128xf32, #tpu.memory_space<hbm>>) target_semaphore(%arg14 : memref<!tpu.dma_semaphore, #tpu.memory_space<semaphore_mem>>)
      %scan3A_61 = arith.constant 0 : i32
      scf.yield %scan3A_61 : i32
    }
    %scan3A_23 = arith.constant 4 : i32
    %dma_wait3A_24 = arith.constant 0 : i32
    %dma_wait3A_25 = tpu.memref_slice %arg4[%mul3A_2, %dma_wait3A_24] : memref<16384x128xf32, #tpu.memory_space<hbm>> -> memref<512x128xf32, #tpu.memory_space<hbm>>
    %dma_wait3A_26 = arith.constant 0 : i32
    %dma_wait3A_27 = tpu.memref_slice %arg4[%mul3A_2, %dma_wait3A_26] : memref<16384x128xf32, #tpu.memory_space<hbm>> -> memref<512x128xf32, #tpu.memory_space<hbm>>
    tpu.wait_dma2 semaphore(%arg14 : memref<!tpu.dma_semaphore, #tpu.memory_space<semaphore_mem>>) src(%arg8 : memref<512x128xf32, #tpu.memory_space<vmem>>) dst(%dma_wait3A_27 : memref<512x128xf32, #tpu.memory_space<hbm>>)
    return
  }
}

</mosaic_0001>

<sc_bundles>
// kernel: kernel.3.cloned.1.call-start
scs
__scs_entry_jumppad:
0x0: {  	(pc) =	sbr.rel $0x88, $3  }
0x1: {  	(tag) =	ssettag $0x0;
	lr =	simm.s32 $0x1  }
0x2: {  	[smem:$0x3F9F] =	sst lr;
	_ =	strace $0xD0000000  }
0x3: {  	_ = 	snop  }
0x4: {  	_ = 	snop  }
0x5: {  	_ = 	snop  }
0x6: {  	_ = 	snop  }
0x7: {  	_ = 	snop  }
__scs_overlays_trampoline_lowered:
0x8: {  	[smem:$0x3FAE] =	sst s0  }
0x9: {  	[smem:$0x3FAF] =	sst s1  }
0xa: {  	[smem:$0x3FB0] =	sst s2  }
0xb: {  	[smem:$0x3FB1] =	sst s3  }
0xc: {  	[smem:$0x3FB2] =	sst s4  }
0xd: {  	[smem:$0x3FB3] =	sst s5  }
0xe: {  	[smem:$0x3FB4] =	sst s6  }
0xf: {  	[smem:$0x3FB5] =	sst s7  }
0x10: {  	[smem:$0x3FB6] =	sst s8  }
0x11: {  	[smem:$0x3FB7] =	sst s9;
	s0 =	simm.s32 @!p0 $0x0  }
0x12: {  	s1 =	sld [smem:$0x3F9D];
	s0 =	simm.s32 @p0 $0x1  }
0x13: {  	[smem:$0x3FB8] =	sst s0;
	s0 =	simm.s32 @!p1 $0x0  }
0x14: {  	s2 =	sld [smem:$0x3F9C];
	s0 =	simm.s32 @p1 $0x1  }
0x15: {  	[smem:$0x3FB9] =	sst s0;
	s0 =	simm.s32 @!p2 $0x0  }
0x16: {  	s3 =	sld [smem:$0x3FDB];
	s0 =	simm.s32 @p2 $0x1  }
0x17: {  	s4 =	simm.s32 $0x1BF5;
	[smem:$0x3FBB] =	sst s0  }
0x18: {  	s0 =	sld [smem:$0x3F9E];
	_ =	swait.ge [sflag:s4], $0x0  }
0x19: {  	s7 =	sld [smem:$0x3F9F]  }
0x1a: {  	s8 =	sadd.s32 $0xFFFFE003, lr  }
0x1b: {  	s9 =	sadd.s32 $0xFFFFFEF7, lr;
	s5 =	simm.s32 $0xFFFFFFFF;
	p2 =	slt.u32 s8, $0xFFFFF086  }
0x1c: {  	p1 =	slt.u32 s9, $0xF7A;
	s5 =	simm.s32 @!p2 $0x0  }
0x1d: {  	s5 =	simm.s32 @p1 $0x1;
	p0 =	seq.s32 s7, s2  }
0x1e: {  	s7 =	smul.u32 @!p0 $0xF7A, s2;
	p2 =	seq.s32 @!p0 s5, $0x0  }
0x1f: {  	s9 =	smul.u32 $0xF7A, s1;
	s8 =	simm.s32 @!p0 $0x1BF5;
	p2 =	por !p2, p0  }
0x20: {  	[sflag:s8] =	ssyncset.s32 @!p0 $0xFFFFF086;
	s6 =	sadd.s32 @!p0 s3, s7;
	s7 =	simm.s32 @!p0 $0x108  }
0x21: {  	s3 =	sadd.s32 s3, s9;
	s6 =	sadd.s32 @!p0 $0x88, s6;
	s7 =	simm.s32 @p2 $0x1082  }
0x22: {  	[simem:s7], [sflag:s8] =	dma.local @!p0 [hbm:s6], $0xF7A  }
0x23: {  	s9 =	sor.u32 $0xD0000000, s2;
	s6 =	simm.s32 $0x108;
	_ =	swait.ge @!p0 [sflag:s8], $0x0  }
0x24: {  	s3 =	sadd.s32 $0x88, s3;
	s6 =	simm.s32 @!p1 $0x1082;
	[sflag:s4] =	ssyncset.s32 $0xFFFFF086  }
0x25: {  	[simem:s6], [sflag:s4] =	dma.local [hbm:s3], $0xF7A  }
0x26: {  	[smem:$0x3F9F] =	sst s1;
	(tag) =	ssettag s2;
	_ =	strace s9  }
0x27: {  	s1 =	sld [smem:$0x3FAF]  }
0x28: {  	s2 =	sld [smem:$0x3FB0]  }
0x29: {  	s4 =	sld [smem:$0x3FB2]  }
0x2a: {  	p0 =	seq.s32 s5, $0x0;
	s5 =	sld [smem:$0x3FB3]  }
0x2b: {  	s6 =	sld [smem:$0x3FB4]  }
0x2c: {  	s7 =	sld [smem:$0x3FB5]  }
0x2d: {  	s3 =	simm.s32 $0x108;
	s8 =	sld [smem:$0x3FB6]  }
0x2e: {  	s3 =	simm.s32 @!p0 $0x1082;
	s9 =	sld [smem:$0x3FB7]  }
0x2f: {  	lr =	sadd.s32 s0, s3;
	s0 =	sld [smem:$0x3FAE]  }
0x30: {  	s3 =	sld [smem:$0x3FB1]  }
0x31: {  	[smem:$0x3FBA] =	sst s10  }
0x32: {  	s10 =	sld [smem:$0x3FB8];
	_ =	sdelay $0x3  }
0x33: {  	p0 =	seq.s32 s10, $0x1;
	s10 =	sld [smem:$0x3FBA];
	_ =	sdelay $0x3  }
0x34: {  	[smem:$0x3FBA] =	sst s10  }
0x35: {  	s10 =	sld [smem:$0x3FB9];
	_ =	sdelay $0x3  }
0x36: {  	p1 =	seq.s32 s10, $0x1;
	s10 =	sld [smem:$0x3FBA];
	_ =	sdelay $0x3  }
0x37: {  	[smem:$0x3FBA] =	sst s10  }
0x38: {  	s10 =	sld [smem:$0x3FBB]  }
0x39: {  	_ = 	snop;
	(pc) =	sbr.ind lr, $3  }
0x3a: {  	_ = 	snop  }
0x3b: {  	_ = 	snop  }
0x3c: {  	p2 =	seq.s32 s10, $0x1;
	s10 =	sld [smem:$0x3FBA]  }
0x3d: {  	_ =	shalt  }
0x3e: {  	_ =	shalt  }
0x3f: {  	_ =	shalt  }
0x40: {  	_ =	shalt  }
0x41: {  	_ =	shalt  }
0x42: {  	_ =	shalt  }
0x43: {  	_ =	shalt  }
0x44: {  	_ =	shalt  }
0x45: {  	_ =	shalt  }
0x46: {  	_ =	shalt  }
0x47: {  	_ =	shalt  }
0x48: {  	_ =	shalt  }
0x49: {  	_ =	shalt  }
0x4a: {  	_ =	shalt  }
0x4b: {  	_ =	shalt  }
0x4c: {  	_ =	shalt  }
0x4d: {  	_ =	shalt  }
0x4e: {  	_ =	shalt  }
0x4f: {  	_ =	shalt  }
0x50: {  	_ =	shalt  }
0x51: {  	_ =	shalt  }
0x52: {  	_ =	shalt  }
0x53: {  	_ =	shalt  }
0x54: {  	_ =	shalt  }
0x55: {  	_ =	shalt  }
0x56: {  	_ =	shalt  }
0x57: {  	_ =	shalt  }
0x58: {  	_ =	shalt  }
0x59: {  	_ =	shalt  }
0x5a: {  	_ =	shalt  }
0x5b: {  	_ =	shalt  }
0x5c: {  	_ =	shalt  }
0x5d: {  	_ =	shalt  }
0x5e: {  	_ =	shalt  }
0x5f: {  	_ =	shalt  }
0x60: {  	_ =	shalt  }
0x61: {  	_ =	shalt  }
0x62: {  	_ =	shalt  }
0x63: {  	_ =	shalt  }
0x64: {  	_ =	shalt  }
0x65: {  	_ =	shalt  }
0x66: {  	_ =	shalt  }
0x67: {  	_ =	shalt  }
0x68: {  	_ =	shalt  }
0x69: {  	_ =	shalt  }
0x6a: {  	_ =	shalt  }
0x6b: {  	_ =	shalt  }
0x6c: {  	_ =	shalt  }
0x6d: {  	_ =	shalt  }
0x6e: {  	_ =	shalt  }
0x6f: {  	_ =	shalt  }
0x70: {  	_ =	shalt  }
0x71: {  	_ =	shalt  }
0x72: {  	_ =	shalt  }
0x73: {  	_ =	shalt  }
0x74: {  	_ =	shalt  }
0x75: {  	_ =	shalt  }
0x76: {  	_ =	shalt  }
0x77: {  	_ =	shalt  }
0x78: {  	_ =	shalt  }
0x79: {  	_ =	shalt  }
0x7a: {  	_ =	shalt  }
0x7b: {  	_ =	shalt  }
0x7c: {  	_ =	shalt  }
0x7d: {  	_ =	shalt  }
0x7e: {  	_ =	shalt  }
0x7f: {  	_ =	shalt  }
0x80: {  	_ =	shalt  }
0x81: {  	_ =	shalt  }
0x82: {  	_ =	shalt  }
0x83: {  	_ =	shalt  }
0x84: {  	_ =	shalt  }
0x85: {  	_ =	shalt  }
0x86: {  	_ =	shalt  }
0x87: {  	_ =	shalt  }
.Lfunc_end0:
.L_simem_size_0:
called_computation_lowered:
.L_overlay_start_0:
0x88: {  	s2 =	sld [smem:$0x3FD9]  }
0x89: {  	s3 =	sld [smem:$0x3FFE];
	_ =	sdelay $0x1  }
0x8a: {  	s1 =	srdreg.scid  }
0x8b: {  	s0 =	sand.u32 $0x1, s1  }
0x8c: {  	s18 =	sshll.u32 s0, $0xA;
	s2 =	sadd.s32 s3, s2  }
0x8d: {  	s2 =	sadd.s32 s2, s18  }
0x8e: {  	[smem:$0x3FC6] =	sst s2  }
0x8f: {  	_ = 	snop  }
0x90: {  	s2 =	sld [smem:$0x3FC9]  }
0x91: {  	s19 =	sld [smem:$0x3FC8]  }
0x92: {  	s4 =	sld [smem:$0x3FD0];
	(tm) =	ssettm $0x1  }
0x93: {  	s5 =	sld [smem:$0x3FFB];
	_ =	sdelay $0x3  }
0x94: {  	_ =	strace s5  }
0x95: {  	s5 =	sld [smem:$0x3FFC];
	_ =	sdelay $0x3  }
0x96: {  	_ =	strace s5  }
0x97: {  	s5 =	sld [smem:$0x3FFD];
	_ =	sdelay $0x3  }
0x98: {  	_ =	strace s5  }
0x99: {  	_ =	strace $0x8FFFFFFF  }
0x9a: {  	s20 =	sld [smem:$0x3FDB];
	_ =	sdelay $0x1  }
0x9b: {  	s6 =	simm.s32 $_scs_section_size  }
0x9c: {  	s7 =	simm.s32 $_size__tile_overlayer_lowered;
	s8 =	simm.s32 $_tile_overlayer_lowered  }
0x9d: {  	s23 =	simm.s32 $0x1BFF;
	s22 =	sshll.u32 s8, $0x1;
	s5 =	sadd.s32 s6, s20  }
0x9e: {  	s9 =	simm.s32 $0x0;
	s21 =	sshll.u32 s7, $0x1;
	s7 =	sadd.s32 s22, s5  }
0x9f: {  	[timem:s9], [sflag:s23] =	dma.local [hbm:s7], s21  }
0xa0: {  	_ =	swait.ge [sflag:s23], s21  }
0xa1: {  	s6 =	ssub.s32 $0x0, s21;
	[sflag:s23] =	ssyncset.done $0x0  }
0xa2: {  	[sflag:s23] =	ssyncadd.s32 s6;
	_ =	sdelay $0x1  }
0xa3: {  	s24 =	simm.s32 $0x1B8B  }
0xa4: {  	_ =	swait.ge [sflag:s24], $0x1  }
0xa5: {  	[sflag:s24] =	ssyncset.done $0x0  }
0xa6: {  	s25 =	simm.s32 $0x1B8E;
	[sflag:s24] =	ssyncadd.s32 $0xFFFFFFFF  }
0xa7: {  	s26 =	simm.s32 $execute0_lowered;
	[smem:$0x3FD2] =	sst s25  }
0xa8: {  	s6 =	sshll.u32 s26, $0x1;
	_ =	strace $0x80000046;
	[dreg:$0x1] =	wrdreg $0xFFFFFFFF  }
0xa9: {  	s28 =	simm.s32 $_size_execute0_lowered;
	s5 =	sadd.s32 s5, s6;
	[dreg:$0x0] =	wrdreg $0x0  }
0xaa: {  	s6 =	sshll.u32 s28, $0x1;
	[dreg:$0x2] =	wrdreg s5  }
0xab: {  	[dreg:$0x3] =	wrdreg s6  }
0xac: {  	[dreg:$0x4] =	wrdreg $0xC0  }
0xad: {  	_ =	task [dreg:s9], $0x5FFFF  }
0xae: {  	[dreg:$0x1] =	wrdreg $0xFFFFFFFF  }
0xaf: {  	[dreg:$0x0] =	wrdreg $0x60  }
0xb0: {  	[dreg:$0x2] =	wrdreg s2  }
0xb1: {  	[dreg:$0x3] =	wrdreg s19  }
0xb2: {  	[dreg:$0x4] =	wrdreg s4  }
0xb3: {  	[dreg:$0x5] =	wrdreg $0x0  }
0xb4: {  	[dreg:$0x6] =	wrdreg $0x9  }
0xb5: {  	_ =	task.clear_ibuf [dreg:s9], $0x7FFFF;
	_ =	strace $0x90000046  }
0xb6: {  	s29 =	simm.s32 $0x9;
	_ =	strace $0x80000048  }
0xb7: {  	_ =	swait.ge [sflag:s29], $0x1  }
0xb8: {  	[sflag:s29] =	ssyncadd.s32 $0xFFFFFFFF  }
0xb9: {  	_ =	strace $0x90000048  }
0xba: {  	_ =	sfence  }
0xbb: {  	s30 =	sld [smem:$0x0];
	_ =	sdelay $0x2  }
0xbc: {  	s31 =	sshll.u32 s1, $0xD;
	s1 =	sshrl.u32 s1, $0x2  }
0xbd: {  	s3 =	sand.u32 $0x4000, s31;
	s1 =	sadd.s32 s1, s30  }
0xbe: {  	s0 =	sor.u32 s3, s0;
	s1 =	sshll.u32 s1, $0x11  }
0xbf: {  	s0 =	sor.u32 s1, s0  }
0xc0: {  	s0 =	sadd.s32 $0x8F2B, s0  }
0xc1: {  	[sflag:s0] =	ssyncadd.remote.s32 $0x1  }
0xc2: {  	_ =	sfence.sel $0xFFFF  }
0xc3: {  	[dreg:$0x0] =	wrdreg $0xFFFFFFFF;
	(pc) =	sbr.abs _section_cstart, $3  }
0xc4: {  	[dreg:$0x1] =	wrdreg $0xFFFFFFFF  }
0xc5: {  	_ =	task.clear_ibuf [dreg:s9], $0x2FFFF;
	_ =	strace $0x9FFFFFFF  }
0xc6: {  	(tm) =	ssettm $0x7FFFFFFF  }
0xc7: {  	_ =	shalt  }
tec
execute0_lowered:
.L_overlay_start_1:
0x0: {  	(tag) =	ssettag $0x1  }
0x1: {  	s0 =	rddreg [dreg:$0x0]  }
0x2: {  	s1 =	rddreg [dreg:$0x1]  }
0x3: {  	s8 =	rddreg [dreg:$0x2]  }
0x4: {  	s2 =	rddreg [dreg:$0x3];
	s4 =	simm.s32 $0x0;
	s5 =	srdreg.scid  }
0x5: {  	s3 =	stileid.u32;
	s12 =	simm.s32 $0x2000;
	s15 =	simm.s32 $0x2  }
0x6: {  	s16 =	simm.s32 $0x80;
	s17 =	simm.s32 $0x2200;
	s18 =	simm.s32 $0x2400  }
0x7: {  	s19 =	simm.s32 $0x3;
	s20 =	simm.s32 $0x2280;
	s21 =	simm.s32 $0x6400  }
0x8: {  	s22 =	simm.s32 $0x2300;
	s23 =	simm.s32 $0xA400;
	s24 =	simm.s32 $0x2380  }
0x9: {  	s25 =	simm.s32 $0xE400;
	s26 =	simm.s32 $0x4;
	s28 =	simm.s32 $0x0  }
0xa: {  	[smem:$0x7FF] =	sst s4;
	s5 =	sand.u32 $0x1, s5;
	s7 =	sshll.u32 s3, $0xA  }
0xb: {  	s31 =	sshll.u32 s3, $0xD;
	p0 =	sne.s32 s3, $0xF;
	s6 =	ssub.s32 $0x2, s5  }
0xc: {  	s5 =	sshll.u32 s5, $0x9;
	_ =	strace $0x80000047;
	s13 =	sshll.u32 @p0 s3, $0x6  }
0xd: {  	s9 =	sshrl.u32 s6, $0x1;
	s10 =	sor.u32 s5, s7;
	s13 =	sor.u32 @p0 $0x1C01, s13  }
0xe: {  	s9 =	ssub.s32 s6, s9;
	s5 =	sshrl.u32 s10, $0x3;
	s10 =	sshll.u32 s10, $0x4  }
0xf: {  	vm0 =	vcmask @!p0 $0x300;
	vm1 =	vcmask @!p0 $0x704;
	s6 =	sadd.s32 s1, s7;
	s5 =	sadd.s32 s0, s5;
	s8 =	sadd.s32 s8, s10  }
0x10: {  	vm2 =	vcmask @!p0 $0xB08;
	vm3 =	vcmask @!p0 $0xF0C;
	vm4 =	vcmask @!p0 $0x1310;
	s0 =	sadd.s32 s31, s2;
	s7 =	smax.u32 s9, $0x1;
	s9 =	sadd.s32 $0x800, s8  }
0x11: {  	vm5 =	vcmask @!p0 $0x1714;
	vm6 =	vcmask @!p0 $0x1B18;
	vm7 =	vcmask @!p0 $0x1F1C;
	s10 =	sadd.s32 $0x1000, s8;
	s11 =	sadd.s32 $0x1800, s8;
	s14 =	sshrl.u32 @p0 s0, $0x3  }
.LBB2_1:
0x12: {  	v0 =	vimm.s32 @!p0 $0x3E8  }
0x13: {  	[tilespmem:s12], [sflag:$0x2] =	stream.linear.gather [hbm4b:s5+s4], $0x200, $0x38;
	v0 =	vsel @!p0 vm0, $0x3E0, v0;
	[tilespmem:$0x13C80] =	vst v63  }
0x14: {  	s0 =	simm.s32 @p0 $0x1;
	v0 =	vsel @!p0 vm1, $0x3E1, v0  }
0x15: {  	[spmem:s14], [sflag:s13] =	dma.local @p0 [hbm:s6], $0x400;
	v0 =	vsel @!p0 vm2, $0x3E2, v0  }
0x16: {  	_ =	swait.ge @p0 [sflag:s0], $0x400;
	v0 =	vsel @!p0 vm3, $0x3E3, v0  }
0x17: {  	v1 =	vlaneseq.u32 @!p0;
	[sflag:s0] =	ssyncset.done @p0 $0x0;
	v0 =	vsel @!p0 vm4, $0x3E4, v0  }
0x18: {  	v2 =	vor.u32 @!p0 $0x3C0, v1;
	[sflag:s0] =	ssyncadd.s32 @p0 $0xFFFFFC00;
	v0 =	vsel @!p0 vm5, $0x3E5, v0  }
0x19: {  	v1 =	vor.u32 @!p0 $0x3D0, v1;
	[tilespmem:$0x12400] =	vst @!p0 v2;
	v0 =	vsel @!p0 vm6, $0x3E6, v0  }
0x1a: {  	s29 =	simm.s32 @!p0 $0x12400;
	[tilespmem:$0x12410] =	vst @!p0 v1;
	v0 =	vsel @!p0 vm7, $0x3E7, v0  }
0x1b: {  	s30 =	simm.s32 @!p0 $0x12480;
	s31 =	simm.s32 @!p0 $0x1;
	s0 =	simm.s32 @!p0 $0x30;
	[tilespmem:$0x12420] =	vst @!p0 v0  }
0x1c: {  	[tilespmem:s30], [sflag:$0x1] =	stream.indirect.gather @!p0 [hbm4b:s1+s0], $0x80, s29, s0, $0xb8;
	[tilespmem:$0x13C80] =	vst v63  }
0x1d: {  	_ =	swait.ge @!p0 [sflag:s31], $0x1800  }
0x1e: {  	[sflag:s31] =	ssyncset.done @!p0 $0x0  }
0x1f: {  	[sflag:s31] =	ssyncadd.s32 @!p0 $0xFFFFE800  }
0x20: {  	[spmem:s2] =	stream.indirect.scatter @!p0 [tilespmem:s30], [sflag:$0x1], $0x80, s29, s0, $0xb8;
	[tilespmem:$0x13C80] =	vst v63  }
0x21: {  	_ =	swait.ge @!p0 [sflag:s31], $0x1800  }
0x22: {  	[sflag:s31] =	ssyncset.done @!p0 $0x0  }
0x23: {  	[sflag:s31] =	ssyncadd.s32 @!p0 $0xFFFFE800  }
0x24: {  	_ =	swait.ge [sflag:s15], $0x200  }
0x25: {  	s0 =	simm.s32 $0x0;
	s30 =	simm.s32 $0x0;
	[sflag:s15] =	ssyncset.done $0x0  }
0x26: {  	s29 =	simm.s32 $0x0;
	s31 =	simm.s32 $0x10;
	[sflag:s15] =	ssyncadd.s32 $0xFFFFFE00  }
.LBB2_2:
0x27: {  	p1 =	sne.s32 s31, $0x1F0;
	v0 =	vld [tilespmem:s0+$0x2000];
	_ =	sdelay $0x2  }
.Ltmp0:
0x28: {  	(pc) =	sbr.rel @p1 .LBB2_2-.Ltmp0, $4  }
0x29: {  	s0 =	sand.u32 $0x600, s30  }
0x2a: {  	s3 =	sand.u32 $0x70, s29;
	s29 =	smov.u32 s31;
	s0 =	sshrl.u32 s0, $0x2;
	vm8 =	vlt.u32 v0, $0x3E8;
	v0 =	vadd.s32 $0x1, v0  }
0x2b: {  	s30 =	sadd.s32 $0x40, s30;
	s3 =	sor.u32 s3, s0;
	v0 =	vnsel vm8, $0x0, v0  }
0x2c: {  	s31 =	sadd.s32 $0x10, s31;
	s0 =	sshra.s32 s30, $0x2;
	[tilespmem:s3+$0x2200] =	vst v0  }
0x2d: {  	v0 =	vld [tilespmem:s0+$0x2000];
	_ =	sdelay $0x3  }
0x2e: {  	s31 =	sand.u32 $0x600, s30  }
0x2f: {  	s3 =	sand.u32 $0x70, s29;
	s0 =	sshrl.u32 s31, $0x2;
	vm8 =	vlt.u32 v0, $0x3E8;
	v0 =	vadd.s32 $0x1, v0  }
0x30: {  	s0 =	sor.u32 s3, s0;
	v0 =	vnsel vm8, $0x0, v0  }
0x31: {  	[tilespmem:s0+$0x2200] =	vst v0  }
0x32: {  	[bflag:$0x0] =	sbarrier.arrive $0xFFFF  }
0x33: {  	[tilespmem:s18], [sflag:$0x3] =	stream.indirect.gather [spmem:s2], $0x80, s17, s16, $0xb8;
	[tilespmem:$0x13C80] =	vst v63  }
0x34: {  	_ =	swait.ge [sflag:s19], $0x4000  }
0x35: {  	[sflag:s19] =	ssyncset.done $0x0  }
0x36: {  	[sflag:s19] =	ssyncadd.s32 $0xFFFFC000  }
0x37: {  	[hbm4b:s8+s4] =	stream.linear.scatter [tilespmem:s18], [sflag:$0x4], $0x4000, $0x38;
	[tilespmem:$0x13C80] =	vst v63  }
0x38: {  	_ = 	snop  }
0x39: {  	[tilespmem:s21], [sflag:$0x3] =	stream.indirect.gather [spmem:s2], $0x80, s20, s16, $0xb8;
	[tilespmem:$0x13C80] =	vst v63  }
0x3a: {  	_ =	swait.ge [sflag:s19], $0x4000  }
0x3b: {  	[sflag:s19] =	ssyncset.done $0x0  }
0x3c: {  	[sflag:s19] =	ssyncadd.s32 $0xFFFFC000  }
0x3d: {  	[hbm4b:s9+s4] =	stream.linear.scatter [tilespmem:s21], [sflag:$0x4], $0x4000, $0x38;
	[tilespmem:$0x13C80] =	vst v63  }
0x3e: {  	_ = 	snop  }
0x3f: {  	[tilespmem:s23], [sflag:$0x3] =	stream.indirect.gather [spmem:s2], $0x80, s22, s16, $0xb8;
	[tilespmem:$0x13C80] =	vst v63  }
0x40: {  	_ =	swait.ge [sflag:s19], $0x4000  }
0x41: {  	[sflag:s19] =	ssyncset.done $0x0  }
0x42: {  	[sflag:s19] =	ssyncadd.s32 $0xFFFFC000  }
0x43: {  	[hbm4b:s10+s4] =	stream.linear.scatter [tilespmem:s23], [sflag:$0x4], $0x4000, $0x38;
	[tilespmem:$0x13C80] =	vst v63  }
0x44: {  	_ = 	snop  }
0x45: {  	[tilespmem:s25], [sflag:$0x3] =	stream.indirect.gather [spmem:s2], $0x80, s24, s16, $0xb8;
	[tilespmem:$0x13C80] =	vst v63  }
0x46: {  	s28 =	sadd.s32 $0x1, s28;
	_ =	swait.ge [sflag:s19], $0x4000  }
0x47: {  	p1 =	sne.s32 s28, s7;
	[sflag:s19] =	ssyncset.done $0x0  }
.Ltmp1:
0x48: {  	[sflag:s19] =	ssyncadd.s32 $0xFFFFC000;
	(pc) =	sbr.rel @p1 .LBB2_1-.Ltmp1, $4  }
0x49: {  	[hbm4b:s11+s4] =	stream.linear.scatter [tilespmem:s25], [sflag:$0x4], $0x4000, $0x38;
	[tilespmem:$0x13C80] =	vst v63  }
0x4a: {  	_ =	swait.ge [sflag:s26], $0x10000  }
0x4b: {  	[sflag:s26] =	ssyncset.done $0x0  }
0x4c: {  	[sflag:s26] =	ssyncadd.s32 $0xFFFF0000  }
0x4d: {  	_ =	sfence.sel $0x180000  }
0x4e: {  	[bflag:$0x0] =	sbarrier.arrive $0xFFFF  }
0x4f: {  	_ =	strace $0x90000047  }
0x50: {  	s0 =	stileid.u32;
	[bflag:$0x2] =	sbarrier.arrive $0xFFFF  }
0x51: {  	p0 =	sne.s32 s0, $0x0;
	s0 =	rddreg [dreg:$0x4]  }
0x52: {  	s0 =	sadd.s32 @!p0 $0x100000, s0  }
0x53: {  	[sflag:s0] =	ssyncadd.tile.s32 @!p0 $0x1;
	_ =	shalt  }
.Lfunc_end2:
_tile_overlayer_lowered:
.L_overlay_start_2:
0x54: {  	(tag) =	ssettag $0x2  }
0x55: {  	s0 =	rddreg [dreg:$0x0];
	s2 =	stileid.u32  }
0x56: {  	s1 =	rddreg [dreg:$0x1];
	p0 =	sne.s32 s2, $0x0  }
0x57: {  	s3 =	rddreg [dreg:$0x2];
	[bflag:$0x3] =	sbarrier.arrive $0xFFFF;
	s2 =	simm.s32 @!p0 $0x1C05  }
0x58: {  	[timem:s3], [sflag:s2] =	dma.local @!p0 [hbm:s0], s1  }
0x59: {  	s0 =	simm.s32 @!p0 $0x5  }
0x5a: {  	_ =	swait.ge @!p0 [sflag:s0], s1  }
0x5b: {  	s1 =	ssub.s32 @!p0 $0x0, s1;
	[sflag:s0] =	ssyncset.done @!p0 $0x0  }
0x5c: {  	[sflag:s0] =	ssyncadd.s32 @!p0 s1  }
0x5d: {  	[bflag:$0x3] =	sbarrier.arrive $0xFFFF  }
0x5e: {  	_ =	shalt  }

</sc_bundles>
